<compile_context>
chip_gen: v7x
topology: tpu7x:2x2x1
jax: 0.10.2.dev20260603
libtpu: 0.0.44.dev20260713+nightly
codegen_flags: <defaults>
</compile_context>

<pallas_src>
import functools

import jax
import jax.numpy as jnp
import numpy as np
from jax import lax
from jax.experimental import pallas as pl
from jax.experimental.pallas import tpu as pltpu
from jax.experimental.pallas import tpu_sc as plsc

_MW = 21
_ECHAR = 50
_K = 5
_T = _MW - _K + 1
_EMBED = 128
_EPAD = 64
_KROWS = _MW * _EPAD
_NCOLS = _T * _EMBED


def _build_sel() -> np.ndarray:
    sel = np.full((_KROWS, _T), _ECHAR * _K, dtype=np.int32)
    for t in range(_T):
        for p in range(_MW):
            for e in range(_ECHAR):
                d = 50 * p + e - t
                if d < 0:
                    continue
                k = d % _MW
                c = d // _MW
                if k < _K and c < _ECHAR:
                    sel[_EPAD * p + e, t] = c * _K + k
    return sel


_SEL = _build_sel()
_SELMAT = np.zeros((_KROWS * _T, 256), dtype=np.float32)
_r = np.arange(_KROWS * _T)
_q = _SEL.reshape(-1)
_valid = _q < _ECHAR * _K
_SELMAT[_r[_valid], _q[_valid]] = 1.0

_NC, _NS = 2, 16
_NW = _NC * _NS
_CH = 480


def _make_sc_gather(n_rows):
    b_per_w = n_rows // _NW
    n_chunks = b_per_w // _CH
    mesh = plsc.VectorSubcoreMesh(core_axis_name="c", subcore_axis_name="s")

    @functools.partial(
        pl.kernel, mesh=mesh,
        compiler_params=pltpu.CompilerParams(use_tc_tiling_on_sc=False),
        out_type=jax.ShapeDtypeStruct((n_rows, _EPAD), jnp.float32),
        scratch_types=[
            pltpu.VMEM((_CH,), jnp.int32),
            pltpu.VMEM((_CH, _EPAD), jnp.float32),
            pltpu.SemaphoreType.DMA,
        ],
    )
    def sc_gather(table_hbm, idx_hbm, out_hbm, idx_v, rows_v, sem):
        wid = lax.axis_index("s") * _NC + lax.axis_index("c")
        base = wid * b_per_w

        def body(i, carry):
            off = base + i * _CH
            pltpu.sync_copy(idx_hbm.at[pl.ds(off, _CH)], idx_v)
            pltpu.async_copy(table_hbm.at[idx_v], rows_v, sem).wait()
            pltpu.sync_copy(rows_v, out_hbm.at[pl.ds(off, _CH)])
            return carry

        lax.fori_loop(0, n_chunks, body, 0)

    return sc_gather


def _tc_body(xf_ref, w2_ref, b2_ref, wp_ref, bp_ref, wg_ref, bg_ref, out_ref):
    w2 = w2_ref[...]
    b2, wp, bp, wg, bg = (b2_ref[...], wp_ref[...], bp_ref[...],
                          wg_ref[...], bg_ref[...])
    nb = xf_ref.shape[0]
    h = nb // 4
    for i in range(4):
        xflat = xf_ref[i * h:(i + 1) * h, :].astype(jnp.bfloat16)
        convp = jax.lax.dot_general(xflat, w2, (((1,), (0,)), ((), ())),
                                    preferred_element_type=jnp.float32)
        m = convp[:, 0:_EMBED]
        for t in range(1, _T):
            m = jnp.maximum(m, convp[:, _EMBED * t:_EMBED * (t + 1)])
        xc = jnp.maximum(m + b2, 0.0)
        xcb = xc.astype(jnp.bfloat16)
        proj = jax.lax.dot_general(xcb, wp, (((1,), (0,)), ((), ())),
                                   preferred_element_type=jnp.float32)
        proj = jnp.maximum(proj + bp, 0.0)
        gl = jax.lax.dot_general(xcb, wg, (((1,), (0,)), ((), ())),
                                 preferred_element_type=jnp.float32)
        gate = 1.0 / (1.0 + jnp.exp(-(gl + bg)))
        out_ref[i * h:(i + 1) * h, :] = gate * proj + (1.0 - gate) * xc


@jax.jit
def kernel(input_tensor, emb_table, conv_w, conv_b, w_proj, b_proj,
           w_gate, b_gate):
    l, b, mw = input_tensor.shape
    n = l * b
    idx = input_tensor.reshape(n * mw).astype(jnp.int32)

    table_pad = jnp.zeros((96, _EPAD), jnp.float32)
    table_pad = table_pad.at[:, :_ECHAR].set(emb_table)

    wmat = conv_w.transpose(1, 2, 0).reshape(_ECHAR * _K, _EMBED)
    wmat_pad = jnp.zeros((256, _EMBED), jnp.bfloat16)
    wmat_pad = wmat_pad.at[:_ECHAR * _K, :].set(wmat.astype(jnp.bfloat16))
    selmat = jnp.asarray(_SELMAT).astype(jnp.bfloat16)
    w2 = jax.lax.dot_general(selmat, wmat_pad, (((1,), (0,)), ((), ())),
                             preferred_element_type=jnp.float32)
    w2 = w2.astype(jnp.bfloat16).reshape(_KROWS, _NCOLS)
    b2 = conv_b.reshape(1, _EMBED)
    wp = w_proj.T.astype(jnp.bfloat16)
    wg = w_gate.T.astype(jnp.bfloat16)
    bp = b_proj.reshape(1, _EMBED)
    bg = b_gate.reshape(1, _EMBED)

    rows = _make_sc_gather(n * mw)(table_pad, idx)
    xflat = rows.reshape(n, _KROWS)

    nb = 1024 if n % 1024 == 0 else n
    grid = (n // nb,)
    const = lambda i: (0, 0)
    out = pl.pallas_call(
        _tc_body,
        grid=grid,
        in_specs=[
            pl.BlockSpec((nb, _KROWS), lambda i: (i, 0)),
            pl.BlockSpec((_KROWS, _NCOLS), const),
            pl.BlockSpec((1, _EMBED), const),
            pl.BlockSpec((_EMBED, _EMBED), const),
            pl.BlockSpec((1, _EMBED), const),
            pl.BlockSpec((_EMBED, _EMBED), const),
            pl.BlockSpec((1, _EMBED), const),
        ],
        out_specs=pl.BlockSpec((nb, _EMBED), lambda i: (i, 0)),
        out_shape=jax.ShapeDtypeStruct((n, _EMBED), jnp.float32),
    )(xflat, w2, b2, wp, bp, wg, bg)
    return out.reshape(l, b, _EMBED)

# --- scband reference (transcript-rebuilt; emitter-appended) ---
"""Pipeline reference for scband-model-embeddings-50062138802359 (READ-ONLY COPY).

The authoritative reference and input builder live on the scoring server;
editing this copy changes nothing except your own understanding.
"""

import jax, jax.numpy as jnp
import numpy as np

L, B, MW = 50, 1024, 21
VOCAB = 96
E_CHAR = 50
EMBED = 128
KERNEL = 5
PAD_IDX = 0


def setup_inputs(seed: int = 0) -> dict:
    key = jax.random.key(seed)
    ks = jax.random.split(key, 8)
    input_tensor = jax.random.randint(ks[0], (L, B, MW), 0, VOCAB)
    emb_table = jax.random.normal(ks[1], (VOCAB, E_CHAR), dtype=jnp.float32) * 0.1
    emb_table = emb_table.at[PAD_IDX].set(0.0)  # padding_idx row is zero
    conv_w = jax.random.normal(ks[2], (EMBED, E_CHAR, KERNEL), dtype=jnp.float32) * 0.05
    conv_b = jax.random.normal(ks[3], (EMBED,), dtype=jnp.float32) * 0.05
    w_proj = jax.random.normal(ks[4], (EMBED, EMBED), dtype=jnp.float32) * 0.05
    b_proj = jax.random.normal(ks[5], (EMBED,), dtype=jnp.float32) * 0.05
    w_gate = jax.random.normal(ks[6], (EMBED, EMBED), dtype=jnp.float32) * 0.05
    b_gate = jax.random.normal(ks[7], (EMBED,), dtype=jnp.float32) * 0.05
    return {"input_tensor": input_tensor, "emb_table": emb_table, "conv_w": conv_w,
            "conv_b": conv_b, "w_proj": w_proj, "b_proj": b_proj,
            "w_gate": w_gate, "b_gate": b_gate}


def reference(input_tensor, emb_table, conv_w, conv_b, w_proj, b_proj, w_gate, b_gate):
    l, b, mw = input_tensor.shape
    flat = input_tensor.reshape(l * b, mw)
    # embedding lookup (gather): (L*B, MW, e_char)
    x_emb = jnp.take(emb_table, flat, axis=0)
    # NOTE: faithful to the original module, which uses .view (reshape), NOT transpose
    x = x_emb.reshape(l * b, E_CHAR, mw)
    # CNN: Conv1d(e_char -> embed, kernel=5, VALID), relu, max-pool over time
    conv = jax.lax.conv_general_dilated(x, conv_w, window_strides=(1,),
                                        padding="VALID",
                                        dimension_numbers=("NCH", "OIH", "NCH"))
    conv = conv + conv_b[None, :, None]
    x_conv = jnp.max(jax.nn.relu(conv), axis=-1)  # (L*B, EMBED)
    # Highway
    proj = jax.nn.relu(x_conv @ w_proj.T + b_proj)
    gate = jax.nn.sigmoid(x_conv @ w_gate.T + b_gate)
    x_hw = gate * proj + (1.0 - gate) * x_conv
    # stack back into (L, B, EMBED) exactly like the python loop + torch.stack
    return x_hw.reshape(l, b, EMBED)

if __name__ == "__main__":
    import jax
    _d = setup_inputs()
    print(jax.jit(kernel)(*tuple(_d.values())))

</pallas_src>

<mosaic_0001>
#map = affine_map<(d0, d1) -> (0, 0)>
#map1 = affine_map<(d0, d1) -> (0)>
module attributes {stable_mosaic.version = 14 : i64} {
  func.func @sc_gather(%arg0: i32, %arg1: i32, %arg2: memref<96x64xf32, #tpu.memory_space<hbm>>, %arg3: memref<1075200xi32, #tpu.memory_space<hbm>>, %arg4: memref<1075200x64xf32, #tpu.memory_space<hbm>>, %arg5: memref<480xi32, #tpu.memory_space<vmem>>, %arg6: memref<480x64xf32, #tpu.memory_space<vmem>>, %arg7: memref<!tpu.dma_semaphore, #tpu.memory_space<semaphore_mem>>) attributes {dimension_semantics = [#tpu.dimension_semantics<core_parallel>, #tpu.dimension_semantics<subcore_parallel>], iteration_bounds = array<i64: 2, 16>, scalar_prefetch = 0 : i64, scratch_operands = 3 : i64, tpu.core_type = #tpu.core_type<sc_vector_subcore>, window_params = [{transform_indices = #map}, {transform_indices = #map1}, {transform_indices = #map}]} {
    %mul3A = arith.constant 2 : i32
    %mul3A_0 = arith.muli %arg1, %mul3A : i32
    %add3A = arith.addi %mul3A_0, %arg0 : i32
    %mul3A_1 = arith.constant 33600 : i32
    %mul3A_2 = arith.muli %add3A, %mul3A_1 : i32
    %scan3A = arith.constant 0 : i32
    %scan3A_3 = arith.constant 0 : i32
    %scan3A_4 = arith.constant 70 : i32
    %scan3A_5 = arith.addi %scan3A_3, %scan3A_4 : i32
    %scan3A_6 = arith.constant 1 : i32
    scf.for %scan3A_8 = %scan3A_3 to %scan3A_5 step %scan3A_6  : i32 {
      %mul3A_9 = arith.constant 480 : i32
      %mul3A_10 = arith.muli %scan3A_8, %mul3A_9 : i32
      %add3A_11 = arith.addi %mul3A_2, %mul3A_10 : i32
      "tpu.region"() ({
        %run_scoped3A = tpu.sem_alloc : memref<!tpu.dma_semaphore, #tpu.memory_space<semaphore_mem>>
        %dma_start3A_16 = tpu.memref_slice %arg3[%add3A_11] : memref<1075200xi32, #tpu.memory_space<hbm>> -> memref<480xi32, #tpu.memory_space<hbm>>
        %dma_start3A_17 = tpu.memref_slice %arg3[%add3A_11] : memref<1075200xi32, #tpu.memory_space<hbm>> -> memref<480xi32, #tpu.memory_space<hbm>>
        tpu.enqueue_dma source(%dma_start3A_17 : memref<480xi32, #tpu.memory_space<hbm>>) target(%arg5 : memref<480xi32, #tpu.memory_space<vmem>>) target_semaphore(%run_scoped3A : memref<!tpu.dma_semaphore, #tpu.memory_space<semaphore_mem>>)
        %dma_wait3A_18 = tpu.memref_slice %arg3[%add3A_11] : memref<1075200xi32, #tpu.memory_space<hbm>> -> memref<480xi32, #tpu.memory_space<hbm>>
        %dma_wait3A_19 = tpu.memref_slice %arg3[%add3A_11] : memref<1075200xi32, #tpu.memory_space<hbm>> -> memref<480xi32, #tpu.memory_space<hbm>>
        tpu.wait_dma2 semaphore(%run_scoped3A : memref<!tpu.dma_semaphore, #tpu.memory_space<semaphore_mem>>) src(%dma_wait3A_19 : memref<480xi32, #tpu.memory_space<hbm>>) dst(%arg5 : memref<480xi32, #tpu.memory_space<vmem>>)
        tpu.yield
      }) : () -> ()
      %dma_start3A = arith.constant 0 : i32
      %dma_start3A_12 = arith.constant 0 : i32
      %dma_start3A_13 = tpu.memref_slice %arg2[%dma_start3A, %dma_start3A_12] : memref<96x64xf32, #tpu.memory_space<hbm>> -> memref<96x64xf32, #tpu.memory_space<hbm>>
      tpu.enqueue_indirect_dma source(%dma_start3A_13 : memref<96x64xf32, #tpu.memory_space<hbm>>) target(%arg6 : memref<480x64xf32, #tpu.memory_space<vmem>>) offsets(%arg5 : memref<480xi32, #tpu.memory_space<vmem>>) semaphore(%arg7 : memref<!tpu.dma_semaphore, #tpu.memory_space<semaphore_mem>>)
      %dma_wait3A = arith.constant 0 : i32
      %dma_wait3A_14 = arith.constant 0 : i32
      %dma_wait3A_15 = tpu.memref_slice %arg2[%dma_wait3A, %dma_wait3A_14] : memref<96x64xf32, #tpu.memory_space<hbm>> -> memref<96x64xf32, #tpu.memory_space<hbm>>
      tpu.wait_indirect_dma semaphore(%arg7 : memref<!tpu.dma_semaphore, #tpu.memory_space<semaphore_mem>>) src(%dma_wait3A_15 : memref<96x64xf32, #tpu.memory_space<hbm>>) dst(%arg6 : memref<480x64xf32, #tpu.memory_space<vmem>>)
      "tpu.region"() ({
        %run_scoped3A = tpu.sem_alloc : memref<!tpu.dma_semaphore, #tpu.memory_space<semaphore_mem>>
        %dma_start3A_16 = arith.constant 0 : i32
        %dma_start3A_17 = tpu.memref_slice %arg4[%add3A_11, %dma_start3A_16] : memref<1075200x64xf32, #tpu.memory_space<hbm>> -> memref<480x64xf32, #tpu.memory_space<hbm>>
        %dma_start3A_18 = arith.constant 0 : i32
        %dma_start3A_19 = tpu.memref_slice %arg4[%add3A_11, %dma_start3A_18] : memref<1075200x64xf32, #tpu.memory_space<hbm>> -> memref<480x64xf32, #tpu.memory_space<hbm>>
        tpu.enqueue_dma source(%arg6 : memref<480x64xf32, #tpu.memory_space<vmem>>) target(%dma_start3A_19 : memref<480x64xf32, #tpu.memory_space<hbm>>) target_semaphore(%run_scoped3A : memref<!tpu.dma_semaphore, #tpu.memory_space<semaphore_mem>>)
        %dma_wait3A_20 = arith.constant 0 : i32
        %dma_wait3A_21 = tpu.memref_slice %arg4[%add3A_11, %dma_wait3A_20] : memref<1075200x64xf32, #tpu.memory_space<hbm>> -> memref<480x64xf32, #tpu.memory_space<hbm>>
        %dma_wait3A_22 = arith.constant 0 : i32
        %dma_wait3A_23 = tpu.memref_slice %arg4[%add3A_11, %dma_wait3A_22] : memref<1075200x64xf32, #tpu.memory_space<hbm>> -> memref<480x64xf32, #tpu.memory_space<hbm>>
        tpu.wait_dma2 semaphore(%run_scoped3A : memref<!tpu.dma_semaphore, #tpu.memory_space<semaphore_mem>>) src(%arg6 : memref<480x64xf32, #tpu.memory_space<vmem>>) dst(%dma_wait3A_23 : memref<480x64xf32, #tpu.memory_space<hbm>>)
        tpu.yield
      }) : () -> ()
    }
    %scan3A_7 = arith.constant 70 : i32
    return
  }
}

module attributes {stable_mosaic.version = 14 : i64} {
  func.func @_tc_body(%arg0: i32, %arg1: memref<1024x1344xf32, #tpu.memory_space<vmem>>, %arg2: memref<1344x2176xbf16, #tpu.memory_space<vmem>>, %arg3: memref<1x128xf32, #tpu.memory_space<vmem>>, %arg4: memref<128x128xbf16, #tpu.memory_space<vmem>>, %arg5: memref<1x128xf32, #tpu.memory_space<vmem>>, %arg6: memref<128x128xbf16, #tpu.memory_space<vmem>>, %arg7: memref<1x128xf32, #tpu.memory_space<vmem>>, %arg8: memref<1024x128xf32, #tpu.memory_space<vmem>>) attributes {dimension_semantics = [#tpu.dimension_semantics<arbitrary>], iteration_bounds = array<i64: 50>, scalar_prefetch = 0 : i64, scratch_operands = 0 : i64, tpu.core_type = #tpu.core_type<tc>, window_params = [{transform_indices = @transform_0, window_bounds = array<i64: 1024, 1344>}, {pipeline_mode = #tpu.pipeline_mode<synchronous>, transform_indices = @transform_1, window_bounds = array<i64: 1344, 2176>}, {pipeline_mode = #tpu.pipeline_mode<synchronous>, transform_indices = @transform_2, window_bounds = array<i64: 1, 128>}, {pipeline_mode = #tpu.pipeline_mode<synchronous>, transform_indices = @transform_3, window_bounds = array<i64: 128, 128>}, {pipeline_mode = #tpu.pipeline_mode<synchronous>, transform_indices = @transform_4, window_bounds = array<i64: 1, 128>}, {pipeline_mode = #tpu.pipeline_mode<synchronous>, transform_indices = @transform_5, window_bounds = array<i64: 128, 128>}, {pipeline_mode = #tpu.pipeline_mode<synchronous>, transform_indices = @transform_6, window_bounds = array<i64: 1, 128>}, {transform_indices = @transform_7, window_bounds = array<i64: 1024, 128>}]} {
    %get3A = arith.constant 0 : index
    %get3A_0 = arith.constant 0 : index
    %get3A_1 = vector.load %arg2[%get3A, %get3A_0] : memref<1344x2176xbf16, #tpu.memory_space<vmem>>, vector<1344x2176xbf16>
    %get3A_2 = arith.constant 0 : index
    %get3A_3 = arith.constant 0 : index
    %get3A_4 = vector.load %arg3[%get3A_2, %get3A_3] : memref<1x128xf32, #tpu.memory_space<vmem>>, vector<1x128xf32>
    %get3A_5 = arith.constant 0 : index
    %get3A_6 = arith.constant 0 : index
    %get3A_7 = vector.load %arg4[%get3A_5, %get3A_6] : memref<128x128xbf16, #tpu.memory_space<vmem>>, vector<128x128xbf16>
    %get3A_8 = arith.constant 0 : index
    %get3A_9 = arith.constant 0 : index
    %get3A_10 = vector.load %arg5[%get3A_8, %get3A_9] : memref<1x128xf32, #tpu.memory_space<vmem>>, vector<1x128xf32>
    %get3A_11 = arith.constant 0 : index
    %get3A_12 = arith.constant 0 : index
    %get3A_13 = vector.load %arg6[%get3A_11, %get3A_12] : memref<128x128xbf16, #tpu.memory_space<vmem>>, vector<128x128xbf16>
    %get3A_14 = arith.constant 0 : index
    %get3A_15 = arith.constant 0 : index
    %get3A_16 = vector.load %arg7[%get3A_14, %get3A_15] : memref<1x128xf32, #tpu.memory_space<vmem>>, vector<1x128xf32>
    %get3A_17 = arith.constant 0 : index
    %get3A_18 = arith.constant 0 : index
    %get3A_19 = vector.load %arg1[%get3A_17, %get3A_18] : memref<1024x1344xf32, #tpu.memory_space<vmem>>, vector<256x1344xf32>
    %convert_element_type3A = arith.truncf %get3A_19 : vector<256x1344xf32> to vector<256x1344xbf16>
    %dot_general3A = arith.constant dense<0.000000e+00> : vector<256x2176xf32>
    %dot_general3A_20 = tpu.matmul %convert_element_type3A, %get3A_1, %dot_general3A {dimension_numbers = #tpu.dot_dimension_numbers<[1], [0], [0], [1], [0, 0, 1, 1], [], []>, transpose_lhs_hint = false} : vector<256x1344xbf16>, vector<1344x2176xbf16>, vector<256x2176xf32> -> vector<256x2176xf32>
    %slice3A = vector.extract_strided_slice %dot_general3A_20 {offsets = [0, 0], sizes = [256, 128], strides = [1, 1]} : vector<256x2176xf32> to vector<256x128xf32>
    %slice3A_21 = vector.extract_strided_slice %dot_general3A_20 {offsets = [0, 128], sizes = [256, 128], strides = [1, 1]} : vector<256x2176xf32> to vector<256x128xf32>
    %max3A = arith.maximumf %slice3A, %slice3A_21 : vector<256x128xf32>
    %slice3A_22 = vector.extract_strided_slice %dot_general3A_20 {offsets = [0, 256], sizes = [256, 128], strides = [1, 1]} : vector<256x2176xf32> to vector<256x128xf32>
    %max3A_23 = arith.maximumf %max3A, %slice3A_22 : vector<256x128xf32>
    %slice3A_24 = vector.extract_strided_slice %dot_general3A_20 {offsets = [0, 384], sizes = [256, 128], strides = [1, 1]} : vector<256x2176xf32> to vector<256x128xf32>
    %max3A_25 = arith.maximumf %max3A_23, %slice3A_24 : vector<256x128xf32>
    %slice3A_26 = vector.extract_strided_slice %dot_general3A_20 {offsets = [0, 512], sizes = [256, 128], strides = [1, 1]} : vector<256x2176xf32> to vector<256x128xf32>
    %max3A_27 = arith.maximumf %max3A_25, %slice3A_26 : vector<256x128xf32>
    %slice3A_28 = vector.extract_strided_slice %dot_general3A_20 {offsets = [0, 640], sizes = [256, 128], strides = [1, 1]} : vector<256x2176xf32> to vector<256x128xf32>
    %max3A_29 = arith.maximumf %max3A_27, %slice3A_28 : vector<256x128xf32>
    %slice3A_30 = vector.extract_strided_slice %dot_general3A_20 {offsets = [0, 768], sizes = [256, 128], strides = [1, 1]} : vector<256x2176xf32> to vector<256x128xf32>
    %max3A_31 = arith.maximumf %max3A_29, %slice3A_30 : vector<256x128xf32>
    %slice3A_32 = vector.extract_strided_slice %dot_general3A_20 {offsets = [0, 896], sizes = [256, 128], strides = [1, 1]} : vector<256x2176xf32> to vector<256x128xf32>
    %max3A_33 = arith.maximumf %max3A_31, %slice3A_32 : vector<256x128xf32>
    %slice3A_34 = vector.extract_strided_slice %dot_general3A_20 {offsets = [0, 1024], sizes = [256, 128], strides = [1, 1]} : vector<256x2176xf32> to vector<256x128xf32>
    %max3A_35 = arith.maximumf %max3A_33, %slice3A_34 : vector<256x128xf32>
    %slice3A_36 = vector.extract_strided_slice %dot_general3A_20 {offsets = [0, 1152], sizes = [256, 128], strides = [1, 1]} : vector<256x2176xf32> to vector<256x128xf32>
    %max3A_37 = arith.maximumf %max3A_35, %slice3A_36 : vector<256x128xf32>
    %slice3A_38 = vector.extract_strided_slice %dot_general3A_20 {offsets = [0, 1280], sizes = [256, 128], strides = [1, 1]} : vector<256x2176xf32> to vector<256x128xf32>
    %max3A_39 = arith.maximumf %max3A_37, %slice3A_38 : vector<256x128xf32>
    %slice3A_40 = vector.extract_strided_slice %dot_general3A_20 {offsets = [0, 1408], sizes = [256, 128], strides = [1, 1]} : vector<256x2176xf32> to vector<256x128xf32>
    %max3A_41 = arith.maximumf %max3A_39, %slice3A_40 : vector<256x128xf32>
    %slice3A_42 = vector.extract_strided_slice %dot_general3A_20 {offsets = [0, 1536], sizes = [256, 128], strides = [1, 1]} : vector<256x2176xf32> to vector<256x128xf32>
    %max3A_43 = arith.maximumf %max3A_41, %slice3A_42 : vector<256x128xf32>
    %slice3A_44 = vector.extract_strided_slice %dot_general3A_20 {offsets = [0, 1664], sizes = [256, 128], strides = [1, 1]} : vector<256x2176xf32> to vector<256x128xf32>
    %max3A_45 = arith.maximumf %max3A_43, %slice3A_44 : vector<256x128xf32>
    %slice3A_46 = vector.extract_strided_slice %dot_general3A_20 {offsets = [0, 1792], sizes = [256, 128], strides = [1, 1]} : vector<256x2176xf32> to vector<256x128xf32>
    %max3A_47 = arith.maximumf %max3A_45, %slice3A_46 : vector<256x128xf32>
    %slice3A_48 = vector.extract_strided_slice %dot_general3A_20 {offsets = [0, 1920], sizes = [256, 128], strides = [1, 1]} : vector<256x2176xf32> to vector<256x128xf32>
    %max3A_49 = arith.maximumf %max3A_47, %slice3A_48 : vector<256x128xf32>
    %slice3A_50 = vector.extract_strided_slice %dot_general3A_20 {offsets = [0, 2048], sizes = [256, 128], strides = [1, 1]} : vector<256x2176xf32> to vector<256x128xf32>
    %max3A_51 = arith.maximumf %max3A_49, %slice3A_50 : vector<256x128xf32>
    %add3A = vector.broadcast %get3A_4 : vector<1x128xf32> to vector<256x128xf32>
    %add3A_52 = arith.addf %max3A_51, %add3A : vector<256x128xf32>
    %max3A_53 = arith.constant 0.000000e+00 : f32
    %max3A_54 = vector.broadcast %max3A_53 : f32 to vector<256x128xf32>
    %max3A_55 = arith.maximumf %add3A_52, %max3A_54 : vector<256x128xf32>
    %convert_element_type3A_56 = arith.truncf %max3A_55 : vector<256x128xf32> to vector<256x128xbf16>
    %dot_general3A_57 = arith.constant dense<0.000000e+00> : vector<256x128xf32>
    %dot_general3A_58 = tpu.matmul %convert_element_type3A_56, %get3A_7, %dot_general3A_57 {dimension_numbers = #tpu.dot_dimension_numbers<[1], [0], [0], [1], [0, 0, 1, 1], [], []>, transpose_lhs_hint = false} : vector<256x128xbf16>, vector<128x128xbf16>, vector<256x128xf32> -> vector<256x128xf32>
    %add3A_59 = vector.broadcast %get3A_10 : vector<1x128xf32> to vector<256x128xf32>
    %add3A_60 = arith.addf %dot_general3A_58, %add3A_59 : vector<256x128xf32>
    %max3A_61 = arith.constant 0.000000e+00 : f32
    %max3A_62 = vector.broadcast %max3A_61 : f32 to vector<256x128xf32>
    %max3A_63 = arith.maximumf %add3A_60, %max3A_62 : vector<256x128xf32>
    %dot_general3A_64 = arith.constant dense<0.000000e+00> : vector<256x128xf32>
    %dot_general3A_65 = tpu.matmul %convert_element_type3A_56, %get3A_13, %dot_general3A_64 {dimension_numbers = #tpu.dot_dimension_numbers<[1], [0], [0], [1], [0, 0, 1, 1], [], []>, transpose_lhs_hint = false} : vector<256x128xbf16>, vector<128x128xbf16>, vector<256x128xf32> -> vector<256x128xf32>
    %add3A_66 = vector.broadcast %get3A_16 : vector<1x128xf32> to vector<256x128xf32>
    %add3A_67 = arith.addf %dot_general3A_65, %add3A_66 : vector<256x128xf32>
    %neg3A = arith.constant 0.000000e+00 : f32
    %neg3A_68 = vector.broadcast %neg3A : f32 to vector<256x128xf32>
    %neg3A_69 = arith.subf %neg3A_68, %add3A_67 : vector<256x128xf32>
    %exp3A = math.exp %neg3A_69 : vector<256x128xf32>
    %add3A_70 = arith.constant 1.000000e+00 : f32
    %add3A_71 = vector.broadcast %add3A_70 : f32 to vector<256x128xf32>
    %add3A_72 = arith.addf %add3A_71, %exp3A : vector<256x128xf32>
    %div3A = arith.constant 1.000000e+00 : f32
    %div3A_73 = vector.broadcast %div3A : f32 to vector<256x128xf32>
    %div3A_74 = arith.divf %div3A_73, %add3A_72 : vector<256x128xf32>
    %mul3A = arith.mulf %div3A_74, %max3A_63 : vector<256x128xf32>
    %sub3A = arith.constant 1.000000e+00 : f32
    %sub3A_75 = vector.broadcast %sub3A : f32 to vector<256x128xf32>
    %sub3A_76 = arith.subf %sub3A_75, %div3A_74 : vector<256x128xf32>
    %mul3A_77 = arith.mulf %sub3A_76, %max3A_55 : vector<256x128xf32>
    %add3A_78 = arith.addf %mul3A, %mul3A_77 : vector<256x128xf32>
    %swap3A = arith.constant 0 : index
    %swap3A_79 = arith.constant 0 : index
    %swap3A_80 = vector.load %arg8[%swap3A, %swap3A_79] : memref<1024x128xf32, #tpu.memory_space<vmem>>, vector<256x128xf32>
    tpu.vector_store %arg8[%swap3A, %swap3A_79], %add3A_78 {strides = array<i32>} : memref<1024x128xf32, #tpu.memory_space<vmem>>, vector<256x128xf32>,
    %get3A_81 = arith.constant 256 : index
    %get3A_82 = arith.constant 0 : index
    %get3A_83 = vector.load %arg1[%get3A_81, %get3A_82] : memref<1024x1344xf32, #tpu.memory_space<vmem>>, vector<256x1344xf32>
    %convert_element_type3A_84 = arith.truncf %get3A_83 : vector<256x1344xf32> to vector<256x1344xbf16>
    %dot_general3A_85 = arith.constant dense<0.000000e+00> : vector<256x2176xf32>
    %dot_general3A_86 = tpu.matmul %convert_element_type3A_84, %get3A_1, %dot_general3A_85 {dimension_numbers = #tpu.dot_dimension_numbers<[1], [0], [0], [1], [0, 0, 1, 1], [], []>, transpose_lhs_hint = false} : vector<256x1344xbf16>, vector<1344x2176xbf16>, vector<256x2176xf32> -> vector<256x2176xf32>
    %slice3A_87 = vector.extract_strided_slice %dot_general3A_86 {offsets = [0, 0], sizes = [256, 128], strides = [1, 1]} : vector<256x2176xf32> to vector<256x128xf32>
    %slice3A_88 = vector.extract_strided_slice %dot_general3A_86 {offsets = [0, 128], sizes = [256, 128], strides = [1, 1]} : vector<256x2176xf32> to vector<256x128xf32>
    %max3A_89 = arith.maximumf %slice3A_87, %slice3A_88 : vector<256x128xf32>
    %slice3A_90 = vector.extract_strided_slice %dot_general3A_86 {offsets = [0, 256], sizes = [256, 128], strides = [1, 1]} : vector<256x2176xf32> to vector<256x128xf32>
    %max3A_91 = arith.maximumf %max3A_89, %slice3A_90 : vector<256x128xf32>
    %slice3A_92 = vector.extract_strided_slice %dot_general3A_86 {offsets = [0, 384], sizes = [256, 128], strides = [1, 1]} : vector<256x2176xf32> to vector<256x128xf32>
    %max3A_93 = arith.maximumf %max3A_91, %slice3A_92 : vector<256x128xf32>
    %slice3A_94 = vector.extract_strided_slice %dot_general3A_86 {offsets = [0, 512], sizes = [256, 128], strides = [1, 1]} : vector<256x2176xf32> to vector<256x128xf32>
    %max3A_95 = arith.maximumf %max3A_93, %slice3A_94 : vector<256x128xf32>
    %slice3A_96 = vector.extract_strided_slice %dot_general3A_86 {offsets = [0, 640], sizes = [256, 128], strides = [1, 1]} : vector<256x2176xf32> to vector<256x128xf32>
    %max3A_97 = arith.maximumf %max3A_95, %slice3A_96 : vector<256x128xf32>
    %slice3A_98 = vector.extract_strided_slice %dot_general3A_86 {offsets = [0, 768], sizes = [256, 128], strides = [1, 1]} : vector<256x2176xf32> to vector<256x128xf32>
    %max3A_99 = arith.maximumf %max3A_97, %slice3A_98 : vector<256x128xf32>
    %slice3A_100 = vector.extract_strided_slice %dot_general3A_86 {offsets = [0, 896], sizes = [256, 128], strides = [1, 1]} : vector<256x2176xf32> to vector<256x128xf32>
    %max3A_101 = arith.maximumf %max3A_99, %slice3A_100 : vector<256x128xf32>
    %slice3A_102 = vector.extract_strided_slice %dot_general3A_86 {offsets = [0, 1024], sizes = [256, 128], strides = [1, 1]} : vector<256x2176xf32> to vector<256x128xf32>
    %max3A_103 = arith.maximumf %max3A_101, %slice3A_102 : vector<256x128xf32>
    %slice3A_104 = vector.extract_strided_slice %dot_general3A_86 {offsets = [0, 1152], sizes = [256, 128], strides = [1, 1]} : vector<256x2176xf32> to vector<256x128xf32>
    %max3A_105 = arith.maximumf %max3A_103, %slice3A_104 : vector<256x128xf32>
    %slice3A_106 = vector.extract_strided_slice %dot_general3A_86 {offsets = [0, 1280], sizes = [256, 128], strides = [1, 1]} : vector<256x2176xf32> to vector<256x128xf32>
    %max3A_107 = arith.maximumf %max3A_105, %slice3A_106 : vector<256x128xf32>
    %slice3A_108 = vector.extract_strided_slice %dot_general3A_86 {offsets = [0, 1408], sizes = [256, 128], strides = [1, 1]} : vector<256x2176xf32> to vector<256x128xf32>
    %max3A_109 = arith.maximumf %max3A_107, %slice3A_108 : vector<256x128xf32>
    %slice3A_110 = vector.extract_strided_slice %dot_general3A_86 {offsets = [0, 1536], sizes = [256, 128], strides = [1, 1]} : vector<256x2176xf32> to vector<256x128xf32>
    %max3A_111 = arith.maximumf %max3A_109, %slice3A_110 : vector<256x128xf32>
    %slice3A_112 = vector.extract_strided_slice %dot_general3A_86 {offsets = [0, 1664], sizes = [256, 128], strides = [1, 1]} : vector<256x2176xf32> to vector<256x128xf32>
    %max3A_113 = arith.maximumf %max3A_111, %slice3A_112 : vector<256x128xf32>
    %slice3A_114 = vector.extract_strided_slice %dot_general3A_86 {offsets = [0, 1792], sizes = [256, 128], strides = [1, 1]} : vector<256x2176xf32> to vector<256x128xf32>
    %max3A_115 = arith.maximumf %max3A_113, %slice3A_114 : vector<256x128xf32>
    %slice3A_116 = vector.extract_strided_slice %dot_general3A_86 {offsets = [0, 1920], sizes = [256, 128], strides = [1, 1]} : vector<256x2176xf32> to vector<256x128xf32>
    %max3A_117 = arith.maximumf %max3A_115, %slice3A_116 : vector<256x128xf32>
    %slice3A_118 = vector.extract_strided_slice %dot_general3A_86 {offsets = [0, 2048], sizes = [256, 128], strides = [1, 1]} : vector<256x2176xf32> to vector<256x128xf32>
    %max3A_119 = arith.maximumf %max3A_117, %slice3A_118 : vector<256x128xf32>
    %add3A_120 = vector.broadcast %get3A_4 : vector<1x128xf32> to vector<256x128xf32>
    %add3A_121 = arith.addf %max3A_119, %add3A_120 : vector<256x128xf32>
    %max3A_122 = arith.constant 0.000000e+00 : f32
    %max3A_123 = vector.broadcast %max3A_122 : f32 to vector<256x128xf32>
    %max3A_124 = arith.maximumf %add3A_121, %max3A_123 : vector<256x128xf32>
    %convert_element_type3A_125 = arith.truncf %max3A_124 : vector<256x128xf32> to vector<256x128xbf16>
    %dot_general3A_126 = arith.constant dense<0.000000e+00> : vector<256x128xf32>
    %dot_general3A_127 = tpu.matmul %convert_element_type3A_125, %get3A_7, %dot_general3A_126 {dimension_numbers = #tpu.dot_dimension_numbers<[1], [0], [0], [1], [0, 0, 1, 1], [], []>, transpose_lhs_hint = false} : vector<256x128xbf16>, vector<128x128xbf16>, vector<256x128xf32> -> vector<256x128xf32>
    %add3A_128 = vector.broadcast %get3A_10 : vector<1x128xf32> to vector<256x128xf32>
    %add3A_129 = arith.addf %dot_general3A_127, %add3A_128 : vector<256x128xf32>
    %max3A_130 = arith.constant 0.000000e+00 : f32
    %max3A_131 = vector.broadcast %max3A_130 : f32 to vector<256x128xf32>
    %max3A_132 = arith.maximumf %add3A_129, %max3A_131 : vector<256x128xf32>
    %dot_general3A_133 = arith.constant dense<0.000000e+00> : vector<256x128xf32>
    %dot_general3A_134 = tpu.matmul %convert_element_type3A_125, %get3A_13, %dot_general3A_133 {dimension_numbers = #tpu.dot_dimension_numbers<[1], [0], [0], [1], [0, 0, 1, 1], [], []>, transpose_lhs_hint = false} : vector<256x128xbf16>, vector<128x128xbf16>, vector<256x128xf32> -> vector<256x128xf32>
    %add3A_135 = vector.broadcast %get3A_16 : vector<1x128xf32> to vector<256x128xf32>
    %add3A_136 = arith.addf %dot_general3A_134, %add3A_135 : vector<256x128xf32>
    %neg3A_137 = arith.constant 0.000000e+00 : f32
    %neg3A_138 = vector.broadcast %neg3A_137 : f32 to vector<256x128xf32>
    %neg3A_139 = arith.subf %neg3A_138, %add3A_136 : vector<256x128xf32>
    %exp3A_140 = math.exp %neg3A_139 : vector<256x128xf32>
    %add3A_141 = arith.constant 1.000000e+00 : f32
    %add3A_142 = vector.broadcast %add3A_141 : f32 to vector<256x128xf32>
    %add3A_143 = arith.addf %add3A_142, %exp3A_140 : vector<256x128xf32>
    %div3A_144 = arith.constant 1.000000e+00 : f32
    %div3A_145 = vector.broadcast %div3A_144 : f32 to vector<256x128xf32>
    %div3A_146 = arith.divf %div3A_145, %add3A_143 : vector<256x128xf32>
    %mul3A_147 = arith.mulf %div3A_146, %max3A_132 : vector<256x128xf32>
    %sub3A_148 = arith.constant 1.000000e+00 : f32
    %sub3A_149 = vector.broadcast %sub3A_148 : f32 to vector<256x128xf32>
    %sub3A_150 = arith.subf %sub3A_149, %div3A_146 : vector<256x128xf32>
    %mul3A_151 = arith.mulf %sub3A_150, %max3A_124 : vector<256x128xf32>
    %add3A_152 = arith.addf %mul3A_147, %mul3A_151 : vector<256x128xf32>
    %swap3A_153 = arith.constant 256 : index
    %swap3A_154 = arith.constant 0 : index
    %swap3A_155 = vector.load %arg8[%swap3A_153, %swap3A_154] : memref<1024x128xf32, #tpu.memory_space<vmem>>, vector<256x128xf32>
    tpu.vector_store %arg8[%swap3A_153, %swap3A_154], %add3A_152 {strides = array<i32>} : memref<1024x128xf32, #tpu.memory_space<vmem>>, vector<256x128xf32>,
    %get3A_156 = arith.constant 512 : index
    %get3A_157 = arith.constant 0 : index
    %get3A_158 = vector.load %arg1[%get3A_156, %get3A_157] : memref<1024x1344xf32, #tpu.memory_space<vmem>>, vector<256x1344xf32>
    %convert_element_type3A_159 = arith.truncf %get3A_158 : vector<256x1344xf32> to vector<256x1344xbf16>
    %dot_general3A_160 = arith.constant dense<0.000000e+00> : vector<256x2176xf32>
    %dot_general3A_161 = tpu.matmul %convert_element_type3A_159, %get3A_1, %dot_general3A_160 {dimension_numbers = #tpu.dot_dimension_numbers<[1], [0], [0], [1], [0, 0, 1, 1], [], []>, transpose_lhs_hint = false} : vector<256x1344xbf16>, vector<1344x2176xbf16>, vector<256x2176xf32> -> vector<256x2176xf32>
    %slice3A_162 = vector.extract_strided_slice %dot_general3A_161 {offsets = [0, 0], sizes = [256, 128], strides = [1, 1]} : vector<256x2176xf32> to vector<256x128xf32>
    %slice3A_163 = vector.extract_strided_slice %dot_general3A_161 {offsets = [0, 128], sizes = [256, 128], strides = [1, 1]} : vector<256x2176xf32> to vector<256x128xf32>
    %max3A_164 = arith.maximumf %slice3A_162, %slice3A_163 : vector<256x128xf32>
    %slice3A_165 = vector.extract_strided_slice %dot_general3A_161 {offsets = [0, 256], sizes = [256, 128], strides = [1, 1]} : vector<256x2176xf32> to vector<256x128xf32>
    %max3A_166 = arith.maximumf %max3A_164, %slice3A_165 : vector<256x128xf32>
    %slice3A_167 = vector.extract_strided_slice %dot_general3A_161 {offsets = [0, 384], sizes = [256, 128], strides = [1, 1]} : vector<256x2176xf32> to vector<256x128xf32>
    %max3A_168 = arith.maximumf %max3A_166, %slice3A_167 : vector<256x128xf32>
    %slice3A_169 = vector.extract_strided_slice %dot_general3A_161 {offsets = [0, 512], sizes = [256, 128], strides = [1, 1]} : vector<256x2176xf32> to vector<256x128xf32>
    %max3A_170 = arith.maximumf %max3A_168, %slice3A_169 : vector<256x128xf32>
    %slice3A_171 = vector.extract_strided_slice %dot_general3A_161 {offsets = [0, 640], sizes = [256, 128], strides = [1, 1]} : vector<256x2176xf32> to vector<256x128xf32>
    %max3A_172 = arith.maximumf %max3A_170, %slice3A_171 : vector<256x128xf32>
    %slice3A_173 = vector.extract_strided_slice %dot_general3A_161 {offsets = [0, 768], sizes = [256, 128], strides = [1, 1]} : vector<256x2176xf32> to vector<256x128xf32>
    %max3A_174 = arith.maximumf %max3A_172, %slice3A_173 : vector<256x128xf32>
    %slice3A_175 = vector.extract_strided_slice %dot_general3A_161 {offsets = [0, 896], sizes = [256, 128], strides = [1, 1]} : vector<256x2176xf32> to vector<256x128xf32>
    %max3A_176 = arith.maximumf %max3A_174, %slice3A_175 : vector<256x128xf32>
    %slice3A_177 = vector.extract_strided_slice %dot_general3A_161 {offsets = [0, 1024], sizes = [256, 128], strides = [1, 1]} : vector<256x2176xf32> to vector<256x128xf32>
    %max3A_178 = arith.maximumf %max3A_176, %slice3A_177 : vector<256x128xf32>
    %slice3A_179 = vector.extract_strided_slice %dot_general3A_161 {offsets = [0, 1152], sizes = [256, 128], strides = [1, 1]} : vector<256x2176xf32> to vector<256x128xf32>
    %max3A_180 = arith.maximumf %max3A_178, %slice3A_179 : vector<256x128xf32>
    %slice3A_181 = vector.extract_strided_slice %dot_general3A_161 {offsets = [0, 1280], sizes = [256, 128], strides = [1, 1]} : vector<256x2176xf32> to vector<256x128xf32>
    %max3A_182 = arith.maximumf %max3A_180, %slice3A_181 : vector<256x128xf32>
    %slice3A_183 = vector.extract_strided_slice %dot_general3A_161 {offsets = [0, 1408], sizes = [256, 128], strides = [1, 1]} : vector<256x2176xf32> to vector<256x128xf32>
    %max3A_184 = arith.maximumf %max3A_182, %slice3A_183 : vector<256x128xf32>
    %slice3A_185 = vector.extract_strided_slice %dot_general3A_161 {offsets = [0, 1536], sizes = [256, 128], strides = [1, 1]} : vector<256x2176xf32> to vector<256x128xf32>
    %max3A_186 = arith.maximumf %max3A_184, %slice3A_185 : vector<256x128xf32>
    %slice3A_187 = vector.extract_strided_slice %dot_general3A_161 {offsets = [0, 1664], sizes = [256, 128], strides = [1, 1]} : vector<256x2176xf32> to vector<256x128xf32>
    %max3A_188 = arith.maximumf %max3A_186, %slice3A_187 : vector<256x128xf32>
    %slice3A_189 = vector.extract_strided_slice %dot_general3A_161 {offsets = [0, 1792], sizes = [256, 128], strides = [1, 1]} : vector<256x2176xf32> to vector<256x128xf32>
    %max3A_190 = arith.maximumf %max3A_188, %slice3A_189 : vector<256x128xf32>
    %slice3A_191 = vector.extract_strided_slice %dot_general3A_161 {offsets = [0, 1920], sizes = [256, 128], strides = [1, 1]} : vector<256x2176xf32> to vector<256x128xf32>
    %max3A_192 = arith.maximumf %max3A_190, %slice3A_191 : vector<256x128xf32>
    %slice3A_193 = vector.extract_strided_slice %dot_general3A_161 {offsets = [0, 2048], sizes = [256, 128], strides = [1, 1]} : vector<256x2176xf32> to vector<256x128xf32>
    %max3A_194 = arith.maximumf %max3A_192, %slice3A_193 : vector<256x128xf32>
    %add3A_195 = vector.broadcast %get3A_4 : vector<1x128xf32> to vector<256x128xf32>
    %add3A_196 = arith.addf %max3A_194, %add3A_195 : vector<256x128xf32>
    %max3A_197 = arith.constant 0.000000e+00 : f32
    %max3A_198 = vector.broadcast %max3A_197 : f32 to vector<256x128xf32>
    %max3A_199 = arith.maximumf %add3A_196, %max3A_198 : vector<256x128xf32>
    %convert_element_type3A_200 = arith.truncf %max3A_199 : vector<256x128xf32> to vector<256x128xbf16>
    %dot_general3A_201 = arith.constant dense<0.000000e+00> : vector<256x128xf32>
    %dot_general3A_202 = tpu.matmul %convert_element_type3A_200, %get3A_7, %dot_general3A_201 {dimension_numbers = #tpu.dot_dimension_numbers<[1], [0], [0], [1], [0, 0, 1, 1], [], []>, transpose_lhs_hint = false} : vector<256x128xbf16>, vector<128x128xbf16>, vector<256x128xf32> -> vector<256x128xf32>
    %add3A_203 = vector.broadcast %get3A_10 : vector<1x128xf32> to vector<256x128xf32>
    %add3A_204 = arith.addf %dot_general3A_202, %add3A_203 : vector<256x128xf32>
    %max3A_205 = arith.constant 0.000000e+00 : f32
    %max3A_206 = vector.broadcast %max3A_205 : f32 to vector<256x128xf32>
    %max3A_207 = arith.maximumf %add3A_204, %max3A_206 : vector<256x128xf32>
    %dot_general3A_208 = arith.constant dense<0.000000e+00> : vector<256x128xf32>
    %dot_general3A_209 = tpu.matmul %convert_element_type3A_200, %get3A_13, %dot_general3A_208 {dimension_numbers = #tpu.dot_dimension_numbers<[1], [0], [0], [1], [0, 0, 1, 1], [], []>, transpose_lhs_hint = false} : vector<256x128xbf16>, vector<128x128xbf16>, vector<256x128xf32> -> vector<256x128xf32>
    %add3A_210 = vector.broadcast %get3A_16 : vector<1x128xf32> to vector<256x128xf32>
    %add3A_211 = arith.addf %dot_general3A_209, %add3A_210 : vector<256x128xf32>
    %neg3A_212 = arith.constant 0.000000e+00 : f32
    %neg3A_213 = vector.broadcast %neg3A_212 : f32 to vector<256x128xf32>
    %neg3A_214 = arith.subf %neg3A_213, %add3A_211 : vector<256x128xf32>
    %exp3A_215 = math.exp %neg3A_214 : vector<256x128xf32>
    %add3A_216 = arith.constant 1.000000e+00 : f32
    %add3A_217 = vector.broadcast %add3A_216 : f32 to vector<256x128xf32>
    %add3A_218 = arith.addf %add3A_217, %exp3A_215 : vector<256x128xf32>
    %div3A_219 = arith.constant 1.000000e+00 : f32
    %div3A_220 = vector.broadcast %div3A_219 : f32 to vector<256x128xf32>
    %div3A_221 = arith.divf %div3A_220, %add3A_218 : vector<256x128xf32>
    %mul3A_222 = arith.mulf %div3A_221, %max3A_207 : vector<256x128xf32>
    %sub3A_223 = arith.constant 1.000000e+00 : f32
    %sub3A_224 = vector.broadcast %sub3A_223 : f32 to vector<256x128xf32>
    %sub3A_225 = arith.subf %sub3A_224, %div3A_221 : vector<256x128xf32>
    %mul3A_226 = arith.mulf %sub3A_225, %max3A_199 : vector<256x128xf32>
    %add3A_227 = arith.addf %mul3A_222, %mul3A_226 : vector<256x128xf32>
    %swap3A_228 = arith.constant 512 : index
    %swap3A_229 = arith.constant 0 : index
    %swap3A_230 = vector.load %arg8[%swap3A_228, %swap3A_229] : memref<1024x128xf32, #tpu.memory_space<vmem>>, vector<256x128xf32>
    tpu.vector_store %arg8[%swap3A_228, %swap3A_229], %add3A_227 {strides = array<i32>} : memref<1024x128xf32, #tpu.memory_space<vmem>>, vector<256x128xf32>,
    %get3A_231 = arith.constant 768 : index
    %get3A_232 = arith.constant 0 : index
    %get3A_233 = vector.load %arg1[%get3A_231, %get3A_232] : memref<1024x1344xf32, #tpu.memory_space<vmem>>, vector<256x1344xf32>
    %convert_element_type3A_234 = arith.truncf %get3A_233 : vector<256x1344xf32> to vector<256x1344xbf16>
    %dot_general3A_235 = arith.constant dense<0.000000e+00> : vector<256x2176xf32>
    %dot_general3A_236 = tpu.matmul %convert_element_type3A_234, %get3A_1, %dot_general3A_235 {dimension_numbers = #tpu.dot_dimension_numbers<[1], [0], [0], [1], [0, 0, 1, 1], [], []>, transpose_lhs_hint = false} : vector<256x1344xbf16>, vector<1344x2176xbf16>, vector<256x2176xf32> -> vector<256x2176xf32>
    %slice3A_237 = vector.extract_strided_slice %dot_general3A_236 {offsets = [0, 0], sizes = [256, 128], strides = [1, 1]} : vector<256x2176xf32> to vector<256x128xf32>
    %slice3A_238 = vector.extract_strided_slice %dot_general3A_236 {offsets = [0, 128], sizes = [256, 128], strides = [1, 1]} : vector<256x2176xf32> to vector<256x128xf32>
    %max3A_239 = arith.maximumf %slice3A_237, %slice3A_238 : vector<256x128xf32>
    %slice3A_240 = vector.extract_strided_slice %dot_general3A_236 {offsets = [0, 256], sizes = [256, 128], strides = [1, 1]} : vector<256x2176xf32> to vector<256x128xf32>
    %max3A_241 = arith.maximumf %max3A_239, %slice3A_240 : vector<256x128xf32>
    %slice3A_242 = vector.extract_strided_slice %dot_general3A_236 {offsets = [0, 384], sizes = [256, 128], strides = [1, 1]} : vector<256x2176xf32> to vector<256x128xf32>
    %max3A_243 = arith.maximumf %max3A_241, %slice3A_242 : vector<256x128xf32>
    %slice3A_244 = vector.extract_strided_slice %dot_general3A_236 {offsets = [0, 512], sizes = [256, 128], strides = [1, 1]} : vector<256x2176xf32> to vector<256x128xf32>
    %max3A_245 = arith.maximumf %max3A_243, %slice3A_244 : vector<256x128xf32>
    %slice3A_246 = vector.extract_strided_slice %dot_general3A_236 {offsets = [0, 640], sizes = [256, 128], strides = [1, 1]} : vector<256x2176xf32> to vector<256x128xf32>
    %max3A_247 = arith.maximumf %max3A_245, %slice3A_246 : vector<256x128xf32>
    %slice3A_248 = vector.extract_strided_slice %dot_general3A_236 {offsets = [0, 768], sizes = [256, 128], strides = [1, 1]} : vector<256x2176xf32> to vector<256x128xf32>
    %max3A_249 = arith.maximumf %max3A_247, %slice3A_248 : vector<256x128xf32>
    %slice3A_250 = vector.extract_strided_slice %dot_general3A_236 {offsets = [0, 896], sizes = [256, 128], strides = [1, 1]} : vector<256x2176xf32> to vector<256x128xf32>
    %max3A_251 = arith.maximumf %max3A_249, %slice3A_250 : vector<256x128xf32>
    %slice3A_252 = vector.extract_strided_slice %dot_general3A_236 {offsets = [0, 1024], sizes = [256, 128], strides = [1, 1]} : vector<256x2176xf32> to vector<256x128xf32>
    %max3A_253 = arith.maximumf %max3A_251, %slice3A_252 : vector<256x128xf32>
    %slice3A_254 = vector.extract_strided_slice %dot_general3A_236 {offsets = [0, 1152], sizes = [256, 128], strides = [1, 1]} : vector<256x2176xf32> to vector<256x128xf32>
    %max3A_255 = arith.maximumf %max3A_253, %slice3A_254 : vector<256x128xf32>
    %slice3A_256 = vector.extract_strided_slice %dot_general3A_236 {offsets = [0, 1280], sizes = [256, 128], strides = [1, 1]} : vector<256x2176xf32> to vector<256x128xf32>
    %max3A_257 = arith.maximumf %max3A_255, %slice3A_256 : vector<256x128xf32>
    %slice3A_258 = vector.extract_strided_slice %dot_general3A_236 {offsets = [0, 1408], sizes = [256, 128], strides = [1, 1]} : vector<256x2176xf32> to vector<256x128xf32>
    %max3A_259 = arith.maximumf %max3A_257, %slice3A_258 : vector<256x128xf32>
    %slice3A_260 = vector.extract_strided_slice %dot_general3A_236 {offsets = [0, 1536], sizes = [256, 128], strides = [1, 1]} : vector<256x2176xf32> to vector<256x128xf32>
    %max3A_261 = arith.maximumf %max3A_259, %slice3A_260 : vector<256x128xf32>
    %slice3A_262 = vector.extract_strided_slice %dot_general3A_236 {offsets = [0, 1664], sizes = [256, 128], strides = [1, 1]} : vector<256x2176xf32> to vector<256x128xf32>
    %max3A_263 = arith.maximumf %max3A_261, %slice3A_262 : vector<256x128xf32>
    %slice3A_264 = vector.extract_strided_slice %dot_general3A_236 {offsets = [0, 1792], sizes = [256, 128], strides = [1, 1]} : vector<256x2176xf32> to vector<256x128xf32>
    %max3A_265 = arith.maximumf %max3A_263, %slice3A_264 : vector<256x128xf32>
    %slice3A_266 = vector.extract_strided_slice %dot_general3A_236 {offsets = [0, 1920], sizes = [256, 128], strides = [1, 1]} : vector<256x2176xf32> to vector<256x128xf32>
    %max3A_267 = arith.maximumf %max3A_265, %slice3A_266 : vector<256x128xf32>
    %slice3A_268 = vector.extract_strided_slice %dot_general3A_236 {offsets = [0, 2048], sizes = [256, 128], strides = [1, 1]} : vector<256x2176xf32> to vector<256x128xf32>
    %max3A_269 = arith.maximumf %max3A_267, %slice3A_268 : vector<256x128xf32>
    %add3A_270 = vector.broadcast %get3A_4 : vector<1x128xf32> to vector<256x128xf32>
    %add3A_271 = arith.addf %max3A_269, %add3A_270 : vector<256x128xf32>
    %max3A_272 = arith.constant 0.000000e+00 : f32
    %max3A_273 = vector.broadcast %max3A_272 : f32 to vector<256x128xf32>
    %max3A_274 = arith.maximumf %add3A_271, %max3A_273 : vector<256x128xf32>
    %convert_element_type3A_275 = arith.truncf %max3A_274 : vector<256x128xf32> to vector<256x128xbf16>
    %dot_general3A_276 = arith.constant dense<0.000000e+00> : vector<256x128xf32>
    %dot_general3A_277 = tpu.matmul %convert_element_type3A_275, %get3A_7, %dot_general3A_276 {dimension_numbers = #tpu.dot_dimension_numbers<[1], [0], [0], [1], [0, 0, 1, 1], [], []>, transpose_lhs_hint = false} : vector<256x128xbf16>, vector<128x128xbf16>, vector<256x128xf32> -> vector<256x128xf32>
    %add3A_278 = vector.broadcast %get3A_10 : vector<1x128xf32> to vector<256x128xf32>
    %add3A_279 = arith.addf %dot_general3A_277, %add3A_278 : vector<256x128xf32>
    %max3A_280 = arith.constant 0.000000e+00 : f32
    %max3A_281 = vector.broadcast %max3A_280 : f32 to vector<256x128xf32>
    %max3A_282 = arith.maximumf %add3A_279, %max3A_281 : vector<256x128xf32>
    %dot_general3A_283 = arith.constant dense<0.000000e+00> : vector<256x128xf32>
    %dot_general3A_284 = tpu.matmul %convert_element_type3A_275, %get3A_13, %dot_general3A_283 {dimension_numbers = #tpu.dot_dimension_numbers<[1], [0], [0], [1], [0, 0, 1, 1], [], []>, transpose_lhs_hint = false} : vector<256x128xbf16>, vector<128x128xbf16>, vector<256x128xf32> -> vector<256x128xf32>
    %add3A_285 = vector.broadcast %get3A_16 : vector<1x128xf32> to vector<256x128xf32>
    %add3A_286 = arith.addf %dot_general3A_284, %add3A_285 : vector<256x128xf32>
    %neg3A_287 = arith.constant 0.000000e+00 : f32
    %neg3A_288 = vector.broadcast %neg3A_287 : f32 to vector<256x128xf32>
    %neg3A_289 = arith.subf %neg3A_288, %add3A_286 : vector<256x128xf32>
    %exp3A_290 = math.exp %neg3A_289 : vector<256x128xf32>
    %add3A_291 = arith.constant 1.000000e+00 : f32
    %add3A_292 = vector.broadcast %add3A_291 : f32 to vector<256x128xf32>
    %add3A_293 = arith.addf %add3A_292, %exp3A_290 : vector<256x128xf32>
    %div3A_294 = arith.constant 1.000000e+00 : f32
    %div3A_295 = vector.broadcast %div3A_294 : f32 to vector<256x128xf32>
    %div3A_296 = arith.divf %div3A_295, %add3A_293 : vector<256x128xf32>
    %mul3A_297 = arith.mulf %div3A_296, %max3A_282 : vector<256x128xf32>
    %sub3A_298 = arith.constant 1.000000e+00 : f32
    %sub3A_299 = vector.broadcast %sub3A_298 : f32 to vector<256x128xf32>
    %sub3A_300 = arith.subf %sub3A_299, %div3A_296 : vector<256x128xf32>
    %mul3A_301 = arith.mulf %sub3A_300, %max3A_274 : vector<256x128xf32>
    %add3A_302 = arith.addf %mul3A_297, %mul3A_301 : vector<256x128xf32>
    %swap3A_303 = arith.constant 768 : index
    %swap3A_304 = arith.constant 0 : index
    %swap3A_305 = vector.load %arg8[%swap3A_303, %swap3A_304] : memref<1024x128xf32, #tpu.memory_space<vmem>>, vector<256x128xf32>
    tpu.vector_store %arg8[%swap3A_303, %swap3A_304], %add3A_302 {strides = array<i32>} : memref<1024x128xf32, #tpu.memory_space<vmem>>, vector<256x128xf32>,
    return
  }
  func.func @transform_0(%arg0: i32) -> (i32, i32) {
    %c0_i32 = arith.constant 0 : i32
    %c0_i32_0 = arith.constant 0 : i32
    return %arg0, %c0_i32 : i32, i32
  }
  func.func @transform_1(%arg0: i32) -> (i32, i32) {
    %c0_i32 = arith.constant 0 : i32
    %c0_i32_0 = arith.constant 0 : i32
    %c0_i32_1 = arith.constant 0 : i32
    return %c0_i32, %c0_i32_0 : i32, i32
  }
  func.func @transform_2(%arg0: i32) -> (i32, i32) {
    %c0_i32 = arith.constant 0 : i32
    %c0_i32_0 = arith.constant 0 : i32
    %c0_i32_1 = arith.constant 0 : i32
    return %c0_i32, %c0_i32_0 : i32, i32
  }
  func.func @transform_3(%arg0: i32) -> (i32, i32) {
    %c0_i32 = arith.constant 0 : i32
    %c0_i32_0 = arith.constant 0 : i32
    %c0_i32_1 = arith.constant 0 : i32
    return %c0_i32, %c0_i32_0 : i32, i32
  }
  func.func @transform_4(%arg0: i32) -> (i32, i32) {
    %c0_i32 = arith.constant 0 : i32
    %c0_i32_0 = arith.constant 0 : i32
    %c0_i32_1 = arith.constant 0 : i32
    return %c0_i32, %c0_i32_0 : i32, i32
  }
  func.func @transform_5(%arg0: i32) -> (i32, i32) {
    %c0_i32 = arith.constant 0 : i32
    %c0_i32_0 = arith.constant 0 : i32
    %c0_i32_1 = arith.constant 0 : i32
    return %c0_i32, %c0_i32_0 : i32, i32
  }
  func.func @transform_6(%arg0: i32) -> (i32, i32) {
    %c0_i32 = arith.constant 0 : i32
    %c0_i32_0 = arith.constant 0 : i32
    %c0_i32_1 = arith.constant 0 : i32
    return %c0_i32, %c0_i32_0 : i32, i32
  }
  func.func @transform_7(%arg0: i32) -> (i32, i32) {
    %c0_i32 = arith.constant 0 : i32
    %c0_i32_0 = arith.constant 0 : i32
    return %arg0, %c0_i32 : i32, i32
  }
}

</mosaic_0001>

<sc_bundles>
// kernel: kernel.4.cloned.1.call-start
scs
__scs_entry_jumppad:
0x0: {  	(pc) =	sbr.rel $0x88, $3  }
0x1: {  	(tag) =	ssettag $0x0;
	lr =	simm.s32 $0x1  }
0x2: {  	[smem:$0x3F99] =	sst lr;
	_ =	strace $0xD0000000  }
0x3: {  	_ = 	snop  }
0x4: {  	_ = 	snop  }
0x5: {  	_ = 	snop  }
0x6: {  	_ = 	snop  }
0x7: {  	_ = 	snop  }
__scs_overlays_trampoline_lowered:
0x8: {  	[smem:$0x3FA8] =	sst s0  }
0x9: {  	[smem:$0x3FA9] =	sst s1  }
0xa: {  	[smem:$0x3FAA] =	sst s2  }
0xb: {  	[smem:$0x3FAB] =	sst s3  }
0xc: {  	[smem:$0x3FAC] =	sst s4  }
0xd: {  	[smem:$0x3FAD] =	sst s5  }
0xe: {  	[smem:$0x3FAE] =	sst s6  }
0xf: {  	[smem:$0x3FAF] =	sst s7  }
0x10: {  	[smem:$0x3FB0] =	sst s8  }
0x11: {  	[smem:$0x3FB1] =	sst s9;
	s0 =	simm.s32 @!p0 $0x0  }
0x12: {  	s1 =	sld [smem:$0x3F97];
	s0 =	simm.s32 @p0 $0x1  }
0x13: {  	[smem:$0x3FB2] =	sst s0;
	s0 =	simm.s32 @!p1 $0x0  }
0x14: {  	s2 =	sld [smem:$0x3F96];
	s0 =	simm.s32 @p1 $0x1  }
0x15: {  	[smem:$0x3FB3] =	sst s0;
	s0 =	simm.s32 @!p2 $0x0  }
0x16: {  	s3 =	sld [smem:$0x3FDB];
	s0 =	simm.s32 @p2 $0x1  }
0x17: {  	s4 =	simm.s32 $0x1BF5;
	[smem:$0x3FB5] =	sst s0  }
0x18: {  	s0 =	sld [smem:$0x3F98];
	_ =	swait.ge [sflag:s4], $0x0  }
0x19: {  	s7 =	sld [smem:$0x3F99]  }
0x1a: {  	s8 =	sadd.s32 $0xFFFFE003, lr  }
0x1b: {  	s9 =	sadd.s32 $0xFFFFFEF7, lr;
	s5 =	simm.s32 $0xFFFFFFFF;
	p2 =	slt.u32 s8, $0xFFFFF086  }
0x1c: {  	p1 =	slt.u32 s9, $0xF7A;
	s5 =	simm.s32 @!p2 $0x0  }
0x1d: {  	s5 =	simm.s32 @p1 $0x1;
	p0 =	seq.s32 s7, s2  }
0x1e: {  	s7 =	smul.u32 @!p0 $0xF7A, s2;
	p2 =	seq.s32 @!p0 s5, $0x0  }
0x1f: {  	s9 =	smul.u32 $0xF7A, s1;
	s8 =	simm.s32 @!p0 $0x1BF5;
	p2 =	por !p2, p0  }
0x20: {  	[sflag:s8] =	ssyncset.s32 @!p0 $0xFFFFF086;
	s6 =	sadd.s32 @!p0 s3, s7;
	s7 =	simm.s32 @!p0 $0x108  }
0x21: {  	s3 =	sadd.s32 s3, s9;
	s6 =	sadd.s32 @!p0 $0x88, s6;
	s7 =	simm.s32 @p2 $0x1082  }
0x22: {  	[simem:s7], [sflag:s8] =	dma.local @!p0 [hbm:s6], $0xF7A  }
0x23: {  	s9 =	sor.u32 $0xD0000000, s2;
	s6 =	simm.s32 $0x108;
	_ =	swait.ge @!p0 [sflag:s8], $0x0  }
0x24: {  	s3 =	sadd.s32 $0x88, s3;
	s6 =	simm.s32 @!p1 $0x1082;
	[sflag:s4] =	ssyncset.s32 $0xFFFFF086  }
0x25: {  	[simem:s6], [sflag:s4] =	dma.local [hbm:s3], $0xF7A  }
0x26: {  	[smem:$0x3F99] =	sst s1;
	(tag) =	ssettag s2;
	_ =	strace s9  }
0x27: {  	s1 =	sld [smem:$0x3FA9]  }
0x28: {  	s2 =	sld [smem:$0x3FAA]  }
0x29: {  	s4 =	sld [smem:$0x3FAC]  }
0x2a: {  	p0 =	seq.s32 s5, $0x0;
	s5 =	sld [smem:$0x3FAD]  }
0x2b: {  	s6 =	sld [smem:$0x3FAE]  }
0x2c: {  	s7 =	sld [smem:$0x3FAF]  }
0x2d: {  	s3 =	simm.s32 $0x108;
	s8 =	sld [smem:$0x3FB0]  }
0x2e: {  	s3 =	simm.s32 @!p0 $0x1082;
	s9 =	sld [smem:$0x3FB1]  }
0x2f: {  	lr =	sadd.s32 s0, s3;
	s0 =	sld [smem:$0x3FA8]  }
0x30: {  	s3 =	sld [smem:$0x3FAB]  }
0x31: {  	[smem:$0x3FB4] =	sst s10  }
0x32: {  	s10 =	sld [smem:$0x3FB2];
	_ =	sdelay $0x3  }
0x33: {  	p0 =	seq.s32 s10, $0x1;
	s10 =	sld [smem:$0x3FB4];
	_ =	sdelay $0x3  }
0x34: {  	[smem:$0x3FB4] =	sst s10  }
0x35: {  	s10 =	sld [smem:$0x3FB3];
	_ =	sdelay $0x3  }
0x36: {  	p1 =	seq.s32 s10, $0x1;
	s10 =	sld [smem:$0x3FB4];
	_ =	sdelay $0x3  }
0x37: {  	[smem:$0x3FB4] =	sst s10  }
0x38: {  	s10 =	sld [smem:$0x3FB5]  }
0x39: {  	_ = 	snop;
	(pc) =	sbr.ind lr, $3  }
0x3a: {  	_ = 	snop  }
0x3b: {  	_ = 	snop  }
0x3c: {  	p2 =	seq.s32 s10, $0x1;
	s10 =	sld [smem:$0x3FB4]  }
0x3d: {  	_ =	shalt  }
0x3e: {  	_ =	shalt  }
0x3f: {  	_ =	shalt  }
0x40: {  	_ =	shalt  }
0x41: {  	_ =	shalt  }
0x42: {  	_ =	shalt  }
0x43: {  	_ =	shalt  }
0x44: {  	_ =	shalt  }
0x45: {  	_ =	shalt  }
0x46: {  	_ =	shalt  }
0x47: {  	_ =	shalt  }
0x48: {  	_ =	shalt  }
0x49: {  	_ =	shalt  }
0x4a: {  	_ =	shalt  }
0x4b: {  	_ =	shalt  }
0x4c: {  	_ =	shalt  }
0x4d: {  	_ =	shalt  }
0x4e: {  	_ =	shalt  }
0x4f: {  	_ =	shalt  }
0x50: {  	_ =	shalt  }
0x51: {  	_ =	shalt  }
0x52: {  	_ =	shalt  }
0x53: {  	_ =	shalt  }
0x54: {  	_ =	shalt  }
0x55: {  	_ =	shalt  }
0x56: {  	_ =	shalt  }
0x57: {  	_ =	shalt  }
0x58: {  	_ =	shalt  }
0x59: {  	_ =	shalt  }
0x5a: {  	_ =	shalt  }
0x5b: {  	_ =	shalt  }
0x5c: {  	_ =	shalt  }
0x5d: {  	_ =	shalt  }
0x5e: {  	_ =	shalt  }
0x5f: {  	_ =	shalt  }
0x60: {  	_ =	shalt  }
0x61: {  	_ =	shalt  }
0x62: {  	_ =	shalt  }
0x63: {  	_ =	shalt  }
0x64: {  	_ =	shalt  }
0x65: {  	_ =	shalt  }
0x66: {  	_ =	shalt  }
0x67: {  	_ =	shalt  }
0x68: {  	_ =	shalt  }
0x69: {  	_ =	shalt  }
0x6a: {  	_ =	shalt  }
0x6b: {  	_ =	shalt  }
0x6c: {  	_ =	shalt  }
0x6d: {  	_ =	shalt  }
0x6e: {  	_ =	shalt  }
0x6f: {  	_ =	shalt  }
0x70: {  	_ =	shalt  }
0x71: {  	_ =	shalt  }
0x72: {  	_ =	shalt  }
0x73: {  	_ =	shalt  }
0x74: {  	_ =	shalt  }
0x75: {  	_ =	shalt  }
0x76: {  	_ =	shalt  }
0x77: {  	_ =	shalt  }
0x78: {  	_ =	shalt  }
0x79: {  	_ =	shalt  }
0x7a: {  	_ =	shalt  }
0x7b: {  	_ =	shalt  }
0x7c: {  	_ =	shalt  }
0x7d: {  	_ =	shalt  }
0x7e: {  	_ =	shalt  }
0x7f: {  	_ =	shalt  }
0x80: {  	_ =	shalt  }
0x81: {  	_ =	shalt  }
0x82: {  	_ =	shalt  }
0x83: {  	_ =	shalt  }
0x84: {  	_ =	shalt  }
0x85: {  	_ =	shalt  }
0x86: {  	_ =	shalt  }
0x87: {  	_ =	shalt  }
.Lfunc_end0:
.L_simem_size_0:
called_computation_lowered:
.L_overlay_start_0:
0x88: {  	s2 =	sld [smem:$0x3FD9]  }
0x89: {  	s3 =	sld [smem:$0x3FFE];
	_ =	sdelay $0x1  }
0x8a: {  	s1 =	srdreg.scid  }
0x8b: {  	s0 =	sand.u32 $0x1, s1  }
0x8c: {  	s16 =	sshll.u32 s0, $0xA;
	s2 =	sadd.s32 s3, s2  }
0x8d: {  	s2 =	sadd.s32 s2, s16  }
0x8e: {  	[smem:$0x3FC0] =	sst s2  }
0x8f: {  	_ = 	snop  }
0x90: {  	(tm) =	ssettm $0x1  }
0x91: {  	s17 =	sld [smem:$0x3FFB];
	_ =	sdelay $0x3  }
0x92: {  	_ =	strace s17  }
0x93: {  	s2 =	sld [smem:$0x3FFC];
	_ =	sdelay $0x3  }
0x94: {  	_ =	strace s2  }
0x95: {  	s2 =	sld [smem:$0x3FFD];
	_ =	sdelay $0x3  }
0x96: {  	_ =	strace s2  }
0x97: {  	_ =	strace $0x8FFFFFFF  }
0x98: {  	s18 =	sld [smem:$0x3FDB];
	_ =	sdelay $0x1  }
0x99: {  	s19 =	simm.s32 $_scs_section_size  }
0x9a: {  	s4 =	simm.s32 $_size__tile_overlayer_lowered;
	s5 =	simm.s32 $_tile_overlayer_lowered  }
0x9b: {  	s22 =	simm.s32 $0x1BFF;
	s21 =	sshll.u32 s5, $0x1;
	s2 =	sadd.s32 s19, s18  }
0x9c: {  	s6 =	simm.s32 $0x0;
	s20 =	sshll.u32 s4, $0x1;
	s4 =	sadd.s32 s21, s2  }
0x9d: {  	[timem:s6], [sflag:s22] =	dma.local [hbm:s4], s20  }
0x9e: {  	_ =	swait.ge [sflag:s22], s20  }
0x9f: {  	s3 =	ssub.s32 $0x0, s20;
	[sflag:s22] =	ssyncset.done $0x0  }
0xa0: {  	[sflag:s22] =	ssyncadd.s32 s3;
	_ =	sdelay $0x1  }
0xa1: {  	s23 =	simm.s32 $0x1B8B  }
0xa2: {  	_ =	swait.ge [sflag:s23], $0x1  }
0xa3: {  	[sflag:s23] =	ssyncset.done $0x0  }
0xa4: {  	s25 =	simm.s32 $0x1B8E;
	s24 =	sld [smem:$0x3FFE];
	[sflag:s23] =	ssyncadd.s32 $0xFFFFFFFF  }
0xa5: {  	s26 =	simm.s32 $execute0_lowered;
	[smem:$0x3FD2] =	sst s25  }
0xa6: {  	s4 =	sshll.u32 s26, $0x1;
	_ =	strace $0x80000046;
	[dreg:$0x1] =	wrdreg $0xFFFFFFFF  }
0xa7: {  	s28 =	simm.s32 $_size_execute0_lowered;
	s2 =	sadd.s32 s2, s4;
	[dreg:$0x0] =	wrdreg $0x0  }
0xa8: {  	s4 =	sshll.u32 s28, $0x1;
	[dreg:$0x2] =	wrdreg s2  }
0xa9: {  	[dreg:$0x3] =	wrdreg s4  }
0xaa: {  	[dreg:$0x4] =	wrdreg $0xC0  }
0xab: {  	_ =	task [dreg:s6], $0x5FFFF  }
0xac: {  	[dreg:$0x1] =	wrdreg $0xFFFFFFFF  }
0xad: {  	[dreg:$0x0] =	wrdreg $0x60  }
0xae: {  	[dreg:$0x2] =	wrdreg s24  }
0xaf: {  	[dreg:$0x3] =	wrdreg $0x9  }
0xb0: {  	_ =	task.clear_ibuf [dreg:s6], $0x4FFFF;
	_ =	strace $0x90000046  }
0xb1: {  	s29 =	simm.s32 $0x9;
	_ =	strace $0x80000048  }
0xb2: {  	_ =	swait.ge [sflag:s29], $0x1  }
0xb3: {  	[sflag:s29] =	ssyncadd.s32 $0xFFFFFFFF  }
0xb4: {  	_ =	strace $0x90000048  }
0xb5: {  	_ =	sfence  }
0xb6: {  	s30 =	sld [smem:$0x0];
	_ =	sdelay $0x2  }
0xb7: {  	s31 =	sshll.u32 s1, $0xD;
	s1 =	sshrl.u32 s1, $0x2  }
0xb8: {  	s3 =	sand.u32 $0x4000, s31;
	s1 =	sadd.s32 s1, s30  }
0xb9: {  	s0 =	sor.u32 s3, s0;
	s1 =	sshll.u32 s1, $0x11  }
0xba: {  	s0 =	sor.u32 s1, s0  }
0xbb: {  	s0 =	sadd.s32 $0x8F2B, s0  }
0xbc: {  	[sflag:s0] =	ssyncadd.remote.s32 $0x1  }
0xbd: {  	_ =	sfence.sel $0xFFFF  }
0xbe: {  	[dreg:$0x0] =	wrdreg $0xFFFFFFFF;
	(pc) =	sbr.abs _section_cstart, $3  }
0xbf: {  	[dreg:$0x1] =	wrdreg $0xFFFFFFFF  }
0xc0: {  	_ =	task.clear_ibuf [dreg:s6], $0x2FFFF;
	_ =	strace $0x9FFFFFFF  }
0xc1: {  	(tm) =	ssettm $0x7FFFFFFF  }
tec
execute0_lowered:
.L_overlay_start_1:
0x0: {  	(tag) =	ssettag $0x1  }
0x1: {  	s4 =	rddreg [dreg:$0x0]  }
0x2: {  	s0 =	rddreg [dreg:$0x1];
	s2 =	simm.s32 $0x0;
	s1 =	stileid.u32  }
0x3: {  	s3 =	srdreg.scid;
	s10 =	simm.s32 $0x0;
	s6 =	smul.u32 $0x10680, s1  }
0x4: {  	[smem:$0x7FF] =	sst s2;
	s5 =	sand.u32 $0x1, s3;
	s8 =	smul.u32 $0x83400, s1  }
0x5: {  	s3 =	sadd.s32 $0x22400, s4;
	s7 =	smul.u32 $0x8340, s5;
	s9 =	ssub.s32 $0x2, s5  }
0x6: {  	_ =	strace $0x80000047;
	s5 =	smul.u32 $0x41A00, s5;
	s31 =	sshrl.u32 s9, $0x1  }
0x7: {  	s8 =	sadd.s32 s8, s4;
	s6 =	sadd.s32 s7, s6;
	s7 =	ssub.s32 s9, s31  }
0x8: {  	s5 =	sadd.s32 s5, s8;
	s8 =	simm.s32 $0x1E0;
	s6 =	sshrl.u32 s6, $0x3  }
0x9: {  	s9 =	simm.s32 $0x1;
	s5 =	sadd.s32 $0x22800, s5;
	s6 =	sadd.s32 s6, s4  }
0xa: {  	s4 =	smax.u32 s7, $0x1;
	s7 =	simm.s32 $0x2;
	s6 =	sadd.s32 $0x1600, s6  }
.LBB2_1:
0xb: {  	s11 =	sadd.s32 $0x0, s6  }
0xc: {  	[tilespmem:s2], [sflag:$0x2] =	stream.linear.gather [hbm4b:s11+s2], $0x1E0, $0x38;
	[tilespmem:$0x79E0] =	vst v63  }
0xd: {  	_ =	swait.ge [sflag:s7], $0x1E0  }
0xe: {  	[sflag:s7] =	ssyncset.done $0x0  }
0xf: {  	[sflag:s7] =	ssyncadd.s32 $0xFFFFFE20  }
0x10: {  	[tilespmem:s8], [sflag:$0x1] =	stream.indirect.gather [hbm4b:s3+s8], $0x40, s2, s8, $0xb8;
	[tilespmem:$0x79E0] =	vst v63  }
0x11: {  	_ =	swait.ge [sflag:s9], $0x7800  }
0x12: {  	[sflag:s9] =	ssyncset.done $0x0  }
0x13: {  	[sflag:s9] =	ssyncadd.s32 $0xFFFF8800  }
0x14: {  	[hbm4b:s5+s2] =	stream.linear.scatter [tilespmem:s8], [sflag:$0x2], $0x7800, $0x38;
	[tilespmem:$0x79E0] =	vst v63  }
0x15: {  	s12 =	simm.s32 $0x3C;
	_ =	swait.ge [sflag:s7], $0x7800  }
0x16: {  	s13 =	simm.s32 $0x78;
	s11 =	sadd.s32 $0xF00, s5;
	[sflag:s7] =	ssyncset.done $0x0  }
.LBB2_2:
0x17: {  	s14 =	sadd.s32 s12, s6  }
0x18: {  	[sflag:s7] =	ssyncadd.s32 $0xFFFF8800;
	s12 =	smov.u32 s13;
	s15 =	sadd.s32 $0x3C, s13  }
0x19: {  	[tilespmem:s2], [sflag:$0x2] =	stream.linear.gather [hbm4b:s14+s2], $0x1E0, $0x38;
	[tilespmem:$0x79E0] =	vst v63  }
0x1a: {  	p0 =	sne.s32 s13, $0x102C;
	_ =	swait.ge [sflag:s7], $0x1E0  }
0x1b: {  	[sflag:s7] =	ssyncset.done $0x0  }
0x1c: {  	[sflag:s7] =	ssyncadd.s32 $0xFFFFFE20  }
0x1d: {  	[tilespmem:s8], [sflag:$0x1] =	stream.indirect.gather [hbm4b:s3+s8], $0x40, s2, s8, $0xb8;
	[tilespmem:$0x79E0] =	vst v63  }
0x1e: {  	_ =	swait.ge [sflag:s9], $0x7800  }
.Ltmp0:
0x1f: {  	[sflag:s9] =	ssyncset.done $0x0;
	(pc) =	sbr.rel @p0 .LBB2_2-.Ltmp0, $4  }
0x20: {  	[sflag:s9] =	ssyncadd.s32 $0xFFFF8800  }
0x21: {  	[hbm4b:s11+s2] =	stream.linear.scatter [tilespmem:s8], [sflag:$0x2], $0x7800, $0x38;
	[tilespmem:$0x79E0] =	vst v63  }
0x22: {  	_ =	swait.ge [sflag:s7], $0x7800  }
0x23: {  	s13 =	smov.u32 s15;
	s11 =	sadd.s32 $0xF00, s11;
	[sflag:s7] =	ssyncset.done $0x0  }
0x24: {  	s12 =	sadd.s32 s12, s6;
	[sflag:s7] =	ssyncadd.s32 $0xFFFF8800  }
0x25: {  	[tilespmem:s2], [sflag:$0x2] =	stream.linear.gather [hbm4b:s12+s2], $0x1E0, $0x38;
	[tilespmem:$0x79E0] =	vst v63  }
0x26: {  	_ =	swait.ge [sflag:s7], $0x1E0  }
0x27: {  	[sflag:s7] =	ssyncset.done $0x0  }
0x28: {  	[sflag:s7] =	ssyncadd.s32 $0xFFFFFE20  }
0x29: {  	[tilespmem:s8], [sflag:$0x1] =	stream.indirect.gather [hbm4b:s3+s8], $0x40, s2, s8, $0xb8;
	[tilespmem:$0x79E0] =	vst v63  }
0x2a: {  	s10 =	sadd.s32 $0x1, s10;
	_ =	swait.ge [sflag:s9], $0x7800  }
0x2b: {  	p0 =	sne.s32 s10, s4;
	[sflag:s9] =	ssyncset.done $0x0  }
.Ltmp1:
0x2c: {  	[sflag:s9] =	ssyncadd.s32 $0xFFFF8800;
	(pc) =	sbr.rel @p0 .LBB2_1-.Ltmp1, $4  }
0x2d: {  	[hbm4b:s11+s2] =	stream.linear.scatter [tilespmem:s8], [sflag:$0x2], $0x7800, $0x38;
	[tilespmem:$0x79E0] =	vst v63  }
0x2e: {  	_ =	swait.ge [sflag:s7], $0x7800  }
0x2f: {  	[sflag:s7] =	ssyncset.done $0x0  }
0x30: {  	[sflag:s7] =	ssyncadd.s32 $0xFFFF8800  }
0x31: {  	_ =	sfence.sel $0x180000  }
0x32: {  	[bflag:$0x0] =	sbarrier.arrive $0xFFFF  }
0x33: {  	p0 =	sne.s32 s1, $0x0;
	_ =	strace $0x90000047  }
0x34: {  	s0 =	sadd.s32 @!p0 $0x100000, s0;
	[bflag:$0x2] =	sbarrier.arrive $0xFFFF  }
0x35: {  	[sflag:s0] =	ssyncadd.tile.s32 @!p0 $0x1;
	_ =	shalt  }
.Lfunc_end2:
_tile_overlayer_lowered:
.L_overlay_start_2:
0x36: {  	(tag) =	ssettag $0x2  }
0x37: {  	s0 =	rddreg [dreg:$0x0];
	s2 =	stileid.u32  }
0x38: {  	s1 =	rddreg [dreg:$0x1];
	p0 =	sne.s32 s2, $0x0  }
0x39: {  	s3 =	rddreg [dreg:$0x2];
	[bflag:$0x3] =	sbarrier.arrive $0xFFFF;
	s2 =	simm.s32 @!p0 $0x1C02  }
0x3a: {  	[timem:s3], [sflag:s2] =	dma.local @!p0 [hbm:s0], s1  }
0x3b: {  	s0 =	simm.s32 @!p0 $0x2  }
0x3c: {  	_ =	swait.ge @!p0 [sflag:s0], s1  }
0x3d: {  	s1 =	ssub.s32 @!p0 $0x0, s1;
	[sflag:s0] =	ssyncset.done @!p0 $0x0  }
0x3e: {  	[sflag:s0] =	ssyncadd.s32 @!p0 s1  }
0x3f: {  	[bflag:$0x3] =	sbarrier.arrive $0xFFFF  }
0x40: {  	_ =	shalt  }

</sc_bundles>
